<compile_context>
chip_gen: v7x
topology: tpu7x:2x2x1
jax: 0.10.2.dev20260603
libtpu: 0.0.44.dev20260713+nightly
codegen_flags: <defaults>
</compile_context>

<pallas_src>
import jax
import jax.numpy as jnp
from jax import lax
from jax.experimental import pallas as pl
from jax.experimental.pallas import tpu as pltpu
from jax.experimental.pallas import tpu_sc as plsc

_B, _C, _N = 8, 64, 16384
_PS = 1024 * 32

_NC, _NS = 2, 16
_NW = _NC * _NS
_TPB = _NW // _B
_CPW = _C // _TPB
_L = 16


def _body(feat_hbm, idx_hbm, out_hbm, idx_v, row_v, out_v):
    cid = lax.axis_index("c")
    sid = lax.axis_index("s")
    wid = sid * _NC + cid
    b = wid // _TPB
    cg = wid % _TPB
    pltpu.sync_copy(idx_hbm.at[b], idx_v)

    @pl.loop(0, _CPW)
    def _chan(cl):
        row = b * _C + cg * _CPW + cl
        pltpu.sync_copy(feat_hbm.at[row], row_v)

        @pl.loop(0, _PS // _L, unroll=8)
        def _vec(i):
            iv = idx_v[pl.ds(i * _L, _L)]
            out_v[pl.ds(i * _L, _L)] = plsc.load_gather(row_v, [iv])

        pltpu.sync_copy(out_v, out_hbm.at[row])


def kernel(feature, idx):
    B, C, N = feature.shape
    _, P, S = idx.shape
    feat2 = feature.reshape(B * C, N)
    idx2 = idx.reshape(B, P * S)
    mesh = plsc.VectorSubcoreMesh(
        core_axis_name="c", subcore_axis_name="s", num_cores=_NC, num_subcores=_NS
    )
    f = pl.kernel(
        _body,
        out_type=jax.ShapeDtypeStruct((B * C, P * S), jnp.float32),
        mesh=mesh,
        scratch_types=[
            pltpu.VMEM((_PS,), jnp.int32),
            pltpu.VMEM((_N,), jnp.float32),
            pltpu.VMEM((_PS,), jnp.float32),
        ],
        compiler_params=pltpu.CompilerParams(needs_layout_passes=False),
    )
    out = f(feat2, idx2)
    return out.reshape(B, C, P, S)

# --- scband reference (transcript-rebuilt; emitter-appended) ---
"""Pipeline reference for scband-my-model-47029891891899 (READ-ONLY COPY).

The authoritative reference and input builder live on the scoring server;
editing this copy changes nothing except your own understanding.
"""

import jax, jax.numpy as jnp
import numpy as np


def setup_inputs(seed: int = 0) -> dict:
    key = jax.random.key(seed)
    k1, k2 = jax.random.split(key)
    feature = jax.random.normal(k1, (8, 64, 16384), dtype=jnp.float32)
    idx = jax.random.randint(k2, (8, 1024, 32), 0, 16384, dtype=jnp.int32)
    return {"feature": feature, "idx": idx}


def reference(feature, idx):
    # GroupingOperation: out[b, c, p, s] = feature[b, c, idx[b, p, s]]
    B, C, N = feature.shape
    _, P, S = idx.shape
    idx_flat = idx.reshape(B, 1, P * S)
    idx_b = jnp.broadcast_to(idx_flat, (B, C, P * S))
    gathered = jnp.take_along_axis(feature, idx_b, axis=2)
    return gathered.reshape(B, C, P, S)

if __name__ == "__main__":
    import jax
    _d = setup_inputs()
    print(jax.jit(kernel)(*tuple(_d.values())))

</pallas_src>

<mosaic_0001>
#map = affine_map<(d0, d1) -> (0, 0)>
module attributes {stable_mosaic.version = 14 : i64} {
  func.func @_body(%arg0: i32, %arg1: i32, %arg2: memref<512x16384xf32, #tpu.memory_space<hbm>>, %arg3: memref<8x32768xi32, #tpu.memory_space<hbm>>, %arg4: memref<512x32768xf32, #tpu.memory_space<hbm>>, %arg5: memref<32768xi32, #tpu.memory_space<vmem>>, %arg6: memref<16384xf32, #tpu.memory_space<vmem>>, %arg7: memref<32768xf32, #tpu.memory_space<vmem>>) attributes {dimension_semantics = [#tpu.dimension_semantics<core_parallel>, #tpu.dimension_semantics<subcore_parallel>], iteration_bounds = array<i64: 2, 16>, scalar_prefetch = 0 : i64, scratch_operands = 3 : i64, tpu.core_type = #tpu.core_type<sc_vector_subcore>, window_params = [{transform_indices = #map}, {transform_indices = #map}, {transform_indices = #map}]} {
    %mul3A = arith.constant 2 : i32
    %mul3A_0 = arith.muli %arg1, %mul3A : i32
    %add3A = arith.addi %mul3A_0, %arg0 : i32
    %jit3A = arith.constant 4 : i32
    %div3A = arith.divsi %add3A, %jit3A : i32
    %sign3A = arith.constant 0 : i32
    %sign3A_1 = arith.cmpi sgt, %add3A, %sign3A : i32
    %sign3A_2 = arith.extui %sign3A_1 : i1 to i32
    %sign3A_3 = arith.constant 0 : i32
    %sign3A_4 = arith.cmpi slt, %add3A, %sign3A_3 : i32
    %sign3A_5 = arith.extui %sign3A_4 : i1 to i32
    %sign3A_6 = arith.subi %sign3A_2, %sign3A_5 : i32
    %sign3A_7 = arith.constant 0 : i32
    %sign3A_8 = arith.cmpi sgt, %jit3A, %sign3A_7 : i32
    %sign3A_9 = arith.extui %sign3A_8 : i1 to i32
    %sign3A_10 = arith.constant 0 : i32
    %sign3A_11 = arith.cmpi slt, %jit3A, %sign3A_10 : i32
    %sign3A_12 = arith.extui %sign3A_11 : i1 to i32
    %sign3A_13 = arith.subi %sign3A_9, %sign3A_12 : i32
    %ne3A = arith.cmpi ne, %sign3A_6, %sign3A_13 : i32
    %rem3A = arith.remsi %add3A, %jit3A : i32
    %ne3A_14 = arith.constant 0 : i32
    %ne3A_15 = arith.cmpi ne, %rem3A, %ne3A_14 : i32
    %and3A = arith.andi %ne3A, %ne3A_15 : i1
    %sub3A = arith.constant 1 : i32
    %sub3A_16 = arith.subi %div3A, %sub3A : i32
    %select_n3A = arith.select %and3A, %sub3A_16, %div3A : i32
    %jit3A_17 = arith.constant 4 : i32
    %eq3A = arith.constant 0 : i32
    %eq3A_18 = arith.cmpi eq, %jit3A_17, %eq3A : i32
    %jit3A_19 = arith.constant 1 : i32
    %select_n3A_20 = arith.select %eq3A_18, %jit3A_19, %jit3A_17 : i32
    %rem3A_21 = arith.remsi %add3A, %select_n3A_20 : i32
    %ne3A_22 = arith.constant 0 : i32
    %ne3A_23 = arith.cmpi ne, %rem3A_21, %ne3A_22 : i32
    %lt3A = arith.constant 0 : i32
    %lt3A_24 = arith.cmpi slt, %rem3A_21, %lt3A : i32
    %lt3A_25 = arith.constant 0 : i32
    %lt3A_26 = arith.cmpi slt, %select_n3A_20, %lt3A_25 : i32
    %ne3A_27 = arith.xori %lt3A_24, %lt3A_26 : i1
    %and3A_28 = arith.andi %ne3A_27, %ne3A_23 : i1
    %add3A_29 = arith.addi %rem3A_21, %select_n3A_20 : i32
    %select_n3A_30 = arith.select %and3A_28, %add3A_29, %rem3A_21 : i32
    "tpu.region"() ({
      %run_scoped3A = tpu.sem_alloc : memref<!tpu.dma_semaphore, #tpu.memory_space<semaphore_mem>>
      %dma_start3A = arith.constant 0 : i32
      %dma_start3A_35 = tpu.memref_slice %arg3[%select_n3A, %dma_start3A] : memref<8x32768xi32, #tpu.memory_space<hbm>> -> memref<1x32768xi32, #tpu.memory_space<hbm>>
      %dma_start3A_36 = tpu.memref_squeeze %dma_start3A_35 : memref<1x32768xi32, #tpu.memory_space<hbm>> -> memref<32768xi32, #tpu.memory_space<hbm>>
      %dma_start3A_37 = arith.constant 0 : i32
      %dma_start3A_38 = tpu.memref_slice %arg3[%select_n3A, %dma_start3A_37] : memref<8x32768xi32, #tpu.memory_space<hbm>> -> memref<1x32768xi32, #tpu.memory_space<hbm>>
      %dma_start3A_39 = tpu.memref_squeeze %dma_start3A_38 : memref<1x32768xi32, #tpu.memory_space<hbm>> -> memref<32768xi32, #tpu.memory_space<hbm>>
      tpu.enqueue_dma source(%dma_start3A_39 : memref<32768xi32, #tpu.memory_space<hbm>>) target(%arg5 : memref<32768xi32, #tpu.memory_space<vmem>>) target_semaphore(%run_scoped3A : memref<!tpu.dma_semaphore, #tpu.memory_space<semaphore_mem>>)
      %dma_wait3A = arith.constant 0 : i32
      %dma_wait3A_40 = tpu.memref_slice %arg3[%select_n3A, %dma_wait3A] : memref<8x32768xi32, #tpu.memory_space<hbm>> -> memref<1x32768xi32, #tpu.memory_space<hbm>>
      %dma_wait3A_41 = tpu.memref_squeeze %dma_wait3A_40 : memref<1x32768xi32, #tpu.memory_space<hbm>> -> memref<32768xi32, #tpu.memory_space<hbm>>
      %dma_wait3A_42 = arith.constant 0 : i32
      %dma_wait3A_43 = tpu.memref_slice %arg3[%select_n3A, %dma_wait3A_42] : memref<8x32768xi32, #tpu.memory_space<hbm>> -> memref<1x32768xi32, #tpu.memory_space<hbm>>
      %dma_wait3A_44 = tpu.memref_squeeze %dma_wait3A_43 : memref<1x32768xi32, #tpu.memory_space<hbm>> -> memref<32768xi32, #tpu.memory_space<hbm>>
      tpu.wait_dma2 semaphore(%run_scoped3A : memref<!tpu.dma_semaphore, #tpu.memory_space<semaphore_mem>>) src(%dma_wait3A_44 : memref<32768xi32, #tpu.memory_space<hbm>>) dst(%arg5 : memref<32768xi32, #tpu.memory_space<vmem>>)
      tpu.yield
    }) : () -> ()
    %scan3A = arith.constant 0 : i32
    %scan3A_31 = arith.constant 16 : i32
    %scan3A_32 = arith.addi %scan3A, %scan3A_31 : i32
    %scan3A_33 = arith.constant 1 : i32
    scf.for %scan3A_35 = %scan3A to %scan3A_32 step %scan3A_33  : i32 {
      %mul3A_36 = arith.constant 1 : i32
      %mul3A_37 = arith.muli %scan3A_35, %mul3A_36 : i32
      %add3A_38 = arith.constant 0 : i32
      %add3A_39 = arith.addi %add3A_38, %mul3A_37 : i32
      %mul3A_40 = arith.constant 64 : i32
      %mul3A_41 = arith.muli %select_n3A, %mul3A_40 : i32
      %mul3A_42 = arith.constant 16 : i32
      %mul3A_43 = arith.muli %select_n3A_30, %mul3A_42 : i32
      %add3A_44 = arith.addi %mul3A_41, %mul3A_43 : i32
      %add3A_45 = arith.addi %add3A_44, %add3A_39 : i32
      "tpu.region"() ({
        %run_scoped3A = tpu.sem_alloc : memref<!tpu.dma_semaphore, #tpu.memory_space<semaphore_mem>>
        %dma_start3A = arith.constant 0 : i32
        %dma_start3A_51 = tpu.memref_slice %arg2[%add3A_45, %dma_start3A] : memref<512x16384xf32, #tpu.memory_space<hbm>> -> memref<1x16384xf32, #tpu.memory_space<hbm>>
        %dma_start3A_52 = tpu.memref_squeeze %dma_start3A_51 : memref<1x16384xf32, #tpu.memory_space<hbm>> -> memref<16384xf32, #tpu.memory_space<hbm>>
        %dma_start3A_53 = arith.constant 0 : i32
        %dma_start3A_54 = tpu.memref_slice %arg2[%add3A_45, %dma_start3A_53] : memref<512x16384xf32, #tpu.memory_space<hbm>> -> memref<1x16384xf32, #tpu.memory_space<hbm>>
        %dma_start3A_55 = tpu.memref_squeeze %dma_start3A_54 : memref<1x16384xf32, #tpu.memory_space<hbm>> -> memref<16384xf32, #tpu.memory_space<hbm>>
        tpu.enqueue_dma source(%dma_start3A_55 : memref<16384xf32, #tpu.memory_space<hbm>>) target(%arg6 : memref<16384xf32, #tpu.memory_space<vmem>>) target_semaphore(%run_scoped3A : memref<!tpu.dma_semaphore, #tpu.memory_space<semaphore_mem>>)
        %dma_wait3A = arith.constant 0 : i32
        %dma_wait3A_56 = tpu.memref_slice %arg2[%add3A_45, %dma_wait3A] : memref<512x16384xf32, #tpu.memory_space<hbm>> -> memref<1x16384xf32, #tpu.memory_space<hbm>>
        %dma_wait3A_57 = tpu.memref_squeeze %dma_wait3A_56 : memref<1x16384xf32, #tpu.memory_space<hbm>> -> memref<16384xf32, #tpu.memory_space<hbm>>
        %dma_wait3A_58 = arith.constant 0 : i32
        %dma_wait3A_59 = tpu.memref_slice %arg2[%add3A_45, %dma_wait3A_58] : memref<512x16384xf32, #tpu.memory_space<hbm>> -> memref<1x16384xf32, #tpu.memory_space<hbm>>
        %dma_wait3A_60 = tpu.memref_squeeze %dma_wait3A_59 : memref<1x16384xf32, #tpu.memory_space<hbm>> -> memref<16384xf32, #tpu.memory_space<hbm>>
        tpu.wait_dma2 semaphore(%run_scoped3A : memref<!tpu.dma_semaphore, #tpu.memory_space<semaphore_mem>>) src(%dma_wait3A_60 : memref<16384xf32, #tpu.memory_space<hbm>>) dst(%arg6 : memref<16384xf32, #tpu.memory_space<vmem>>)
        tpu.yield
      }) : () -> ()
      %scan3A_46 = arith.constant 0 : i32
      %scan3A_47 = arith.constant 2048 : i32
      %scan3A_48 = arith.addi %scan3A_46, %scan3A_47 : i32
      %scan3A_49 = arith.constant 8 : i32
      scf.for %scan3A_51 = %scan3A_46 to %scan3A_48 step %scan3A_49  : i32 {
        %mul3A_52 = arith.constant 1 : i32
        %mul3A_53 = arith.muli %scan3A_51, %mul3A_52 : i32
        %add3A_54 = arith.constant 0 : i32
        %add3A_55 = arith.addi %add3A_54, %mul3A_53 : i32
        %mul3A_56 = arith.constant 16 : i32
        %mul3A_57 = arith.muli %add3A_55, %mul3A_56 : i32
        %get3A = arith.index_cast %mul3A_57 : i32 to index
        %get3A_58 = tpu.vector_load %arg5[%get3A] {strides = array<i32>} : memref<32768xi32, #tpu.memory_space<vmem>>, vector<16xi32>,
        %gather3A = tpu.vector_load_idx %arg6[%get3A_58] : memref<16384xf32, #tpu.memory_space<vmem>>[vector<16xi32>], vector<16xf32>,
        %mul3A_59 = arith.constant 16 : i32
        %mul3A_60 = arith.muli %add3A_55, %mul3A_59 : i32
        %swap3A = arith.index_cast %mul3A_60 : i32 to index
        %swap3A_61 = tpu.vector_load %arg7[%swap3A] {strides = array<i32>} : memref<32768xf32, #tpu.memory_space<vmem>>, vector<16xf32>,
        tpu.vector_store %arg7[%swap3A], %gather3A {strides = array<i32>} : memref<32768xf32, #tpu.memory_space<vmem>>, vector<16xf32>,
        %scan3A_62 = arith.constant 1 : i32
        %scan3A_63 = arith.addi %scan3A_51, %scan3A_62 : i32
        %mul3A_64 = arith.constant 1 : i32
        %mul3A_65 = arith.muli %scan3A_63, %mul3A_64 : i32
        %add3A_66 = arith.constant 0 : i32
        %add3A_67 = arith.addi %add3A_66, %mul3A_65 : i32
        %mul3A_68 = arith.constant 16 : i32
        %mul3A_69 = arith.muli %add3A_67, %mul3A_68 : i32
        %get3A_70 = arith.index_cast %mul3A_69 : i32 to index
        %get3A_71 = tpu.vector_load %arg5[%get3A_70] {strides = array<i32>} : memref<32768xi32, #tpu.memory_space<vmem>>, vector<16xi32>,
        %gather3A_72 = tpu.vector_load_idx %arg6[%get3A_71] : memref<16384xf32, #tpu.memory_space<vmem>>[vector<16xi32>], vector<16xf32>,
        %mul3A_73 = arith.constant 16 : i32
        %mul3A_74 = arith.muli %add3A_67, %mul3A_73 : i32
        %swap3A_75 = arith.index_cast %mul3A_74 : i32 to index
        %swap3A_76 = tpu.vector_load %arg7[%swap3A_75] {strides = array<i32>} : memref<32768xf32, #tpu.memory_space<vmem>>, vector<16xf32>,
        tpu.vector_store %arg7[%swap3A_75], %gather3A_72 {strides = array<i32>} : memref<32768xf32, #tpu.memory_space<vmem>>, vector<16xf32>,
        %scan3A_77 = arith.constant 2 : i32
        %scan3A_78 = arith.addi %scan3A_51, %scan3A_77 : i32
        %mul3A_79 = arith.constant 1 : i32
        %mul3A_80 = arith.muli %scan3A_78, %mul3A_79 : i32
        %add3A_81 = arith.constant 0 : i32
        %add3A_82 = arith.addi %add3A_81, %mul3A_80 : i32
        %mul3A_83 = arith.constant 16 : i32
        %mul3A_84 = arith.muli %add3A_82, %mul3A_83 : i32
        %get3A_85 = arith.index_cast %mul3A_84 : i32 to index
        %get3A_86 = tpu.vector_load %arg5[%get3A_85] {strides = array<i32>} : memref<32768xi32, #tpu.memory_space<vmem>>, vector<16xi32>,
        %gather3A_87 = tpu.vector_load_idx %arg6[%get3A_86] : memref<16384xf32, #tpu.memory_space<vmem>>[vector<16xi32>], vector<16xf32>,
        %mul3A_88 = arith.constant 16 : i32
        %mul3A_89 = arith.muli %add3A_82, %mul3A_88 : i32
        %swap3A_90 = arith.index_cast %mul3A_89 : i32 to index
        %swap3A_91 = tpu.vector_load %arg7[%swap3A_90] {strides = array<i32>} : memref<32768xf32, #tpu.memory_space<vmem>>, vector<16xf32>,
        tpu.vector_store %arg7[%swap3A_90], %gather3A_87 {strides = array<i32>} : memref<32768xf32, #tpu.memory_space<vmem>>, vector<16xf32>,
        %scan3A_92 = arith.constant 3 : i32
        %scan3A_93 = arith.addi %scan3A_51, %scan3A_92 : i32
        %mul3A_94 = arith.constant 1 : i32
        %mul3A_95 = arith.muli %scan3A_93, %mul3A_94 : i32
        %add3A_96 = arith.constant 0 : i32
        %add3A_97 = arith.addi %add3A_96, %mul3A_95 : i32
        %mul3A_98 = arith.constant 16 : i32
        %mul3A_99 = arith.muli %add3A_97, %mul3A_98 : i32
        %get3A_100 = arith.index_cast %mul3A_99 : i32 to index
        %get3A_101 = tpu.vector_load %arg5[%get3A_100] {strides = array<i32>} : memref<32768xi32, #tpu.memory_space<vmem>>, vector<16xi32>,
        %gather3A_102 = tpu.vector_load_idx %arg6[%get3A_101] : memref<16384xf32, #tpu.memory_space<vmem>>[vector<16xi32>], vector<16xf32>,
        %mul3A_103 = arith.constant 16 : i32
        %mul3A_104 = arith.muli %add3A_97, %mul3A_103 : i32
        %swap3A_105 = arith.index_cast %mul3A_104 : i32 to index
        %swap3A_106 = tpu.vector_load %arg7[%swap3A_105] {strides = array<i32>} : memref<32768xf32, #tpu.memory_space<vmem>>, vector<16xf32>,
        tpu.vector_store %arg7[%swap3A_105], %gather3A_102 {strides = array<i32>} : memref<32768xf32, #tpu.memory_space<vmem>>, vector<16xf32>,
        %scan3A_107 = arith.constant 4 : i32
        %scan3A_108 = arith.addi %scan3A_51, %scan3A_107 : i32
        %mul3A_109 = arith.constant 1 : i32
        %mul3A_110 = arith.muli %scan3A_108, %mul3A_109 : i32
        %add3A_111 = arith.constant 0 : i32
        %add3A_112 = arith.addi %add3A_111, %mul3A_110 : i32
        %mul3A_113 = arith.constant 16 : i32
        %mul3A_114 = arith.muli %add3A_112, %mul3A_113 : i32
        %get3A_115 = arith.index_cast %mul3A_114 : i32 to index
        %get3A_116 = tpu.vector_load %arg5[%get3A_115] {strides = array<i32>} : memref<32768xi32, #tpu.memory_space<vmem>>, vector<16xi32>,
        %gather3A_117 = tpu.vector_load_idx %arg6[%get3A_116] : memref<16384xf32, #tpu.memory_space<vmem>>[vector<16xi32>], vector<16xf32>,
        %mul3A_118 = arith.constant 16 : i32
        %mul3A_119 = arith.muli %add3A_112, %mul3A_118 : i32
        %swap3A_120 = arith.index_cast %mul3A_119 : i32 to index
        %swap3A_121 = tpu.vector_load %arg7[%swap3A_120] {strides = array<i32>} : memref<32768xf32, #tpu.memory_space<vmem>>, vector<16xf32>,
        tpu.vector_store %arg7[%swap3A_120], %gather3A_117 {strides = array<i32>} : memref<32768xf32, #tpu.memory_space<vmem>>, vector<16xf32>,
        %scan3A_122 = arith.constant 5 : i32
        %scan3A_123 = arith.addi %scan3A_51, %scan3A_122 : i32
        %mul3A_124 = arith.constant 1 : i32
        %mul3A_125 = arith.muli %scan3A_123, %mul3A_124 : i32
        %add3A_126 = arith.constant 0 : i32
        %add3A_127 = arith.addi %add3A_126, %mul3A_125 : i32
        %mul3A_128 = arith.constant 16 : i32
        %mul3A_129 = arith.muli %add3A_127, %mul3A_128 : i32
        %get3A_130 = arith.index_cast %mul3A_129 : i32 to index
        %get3A_131 = tpu.vector_load %arg5[%get3A_130] {strides = array<i32>} : memref<32768xi32, #tpu.memory_space<vmem>>, vector<16xi32>,
        %gather3A_132 = tpu.vector_load_idx %arg6[%get3A_131] : memref<16384xf32, #tpu.memory_space<vmem>>[vector<16xi32>], vector<16xf32>,
        %mul3A_133 = arith.constant 16 : i32
        %mul3A_134 = arith.muli %add3A_127, %mul3A_133 : i32
        %swap3A_135 = arith.index_cast %mul3A_134 : i32 to index
        %swap3A_136 = tpu.vector_load %arg7[%swap3A_135] {strides = array<i32>} : memref<32768xf32, #tpu.memory_space<vmem>>, vector<16xf32>,
        tpu.vector_store %arg7[%swap3A_135], %gather3A_132 {strides = array<i32>} : memref<32768xf32, #tpu.memory_space<vmem>>, vector<16xf32>,
        %scan3A_137 = arith.constant 6 : i32
        %scan3A_138 = arith.addi %scan3A_51, %scan3A_137 : i32
        %mul3A_139 = arith.constant 1 : i32
        %mul3A_140 = arith.muli %scan3A_138, %mul3A_139 : i32
        %add3A_141 = arith.constant 0 : i32
        %add3A_142 = arith.addi %add3A_141, %mul3A_140 : i32
        %mul3A_143 = arith.constant 16 : i32
        %mul3A_144 = arith.muli %add3A_142, %mul3A_143 : i32
        %get3A_145 = arith.index_cast %mul3A_144 : i32 to index
        %get3A_146 = tpu.vector_load %arg5[%get3A_145] {strides = array<i32>} : memref<32768xi32, #tpu.memory_space<vmem>>, vector<16xi32>,
        %gather3A_147 = tpu.vector_load_idx %arg6[%get3A_146] : memref<16384xf32, #tpu.memory_space<vmem>>[vector<16xi32>], vector<16xf32>,
        %mul3A_148 = arith.constant 16 : i32
        %mul3A_149 = arith.muli %add3A_142, %mul3A_148 : i32
        %swap3A_150 = arith.index_cast %mul3A_149 : i32 to index
        %swap3A_151 = tpu.vector_load %arg7[%swap3A_150] {strides = array<i32>} : memref<32768xf32, #tpu.memory_space<vmem>>, vector<16xf32>,
        tpu.vector_store %arg7[%swap3A_150], %gather3A_147 {strides = array<i32>} : memref<32768xf32, #tpu.memory_space<vmem>>, vector<16xf32>,
        %scan3A_152 = arith.constant 7 : i32
        %scan3A_153 = arith.addi %scan3A_51, %scan3A_152 : i32
        %mul3A_154 = arith.constant 1 : i32
        %mul3A_155 = arith.muli %scan3A_153, %mul3A_154 : i32
        %add3A_156 = arith.constant 0 : i32
        %add3A_157 = arith.addi %add3A_156, %mul3A_155 : i32
        %mul3A_158 = arith.constant 16 : i32
        %mul3A_159 = arith.muli %add3A_157, %mul3A_158 : i32
        %get3A_160 = arith.index_cast %mul3A_159 : i32 to index
        %get3A_161 = tpu.vector_load %arg5[%get3A_160] {strides = array<i32>} : memref<32768xi32, #tpu.memory_space<vmem>>, vector<16xi32>,
        %gather3A_162 = tpu.vector_load_idx %arg6[%get3A_161] : memref<16384xf32, #tpu.memory_space<vmem>>[vector<16xi32>], vector<16xf32>,
        %mul3A_163 = arith.constant 16 : i32
        %mul3A_164 = arith.muli %add3A_157, %mul3A_163 : i32
        %swap3A_165 = arith.index_cast %mul3A_164 : i32 to index
        %swap3A_166 = tpu.vector_load %arg7[%swap3A_165] {strides = array<i32>} : memref<32768xf32, #tpu.memory_space<vmem>>, vector<16xf32>,
        tpu.vector_store %arg7[%swap3A_165], %gather3A_162 {strides = array<i32>} : memref<32768xf32, #tpu.memory_space<vmem>>, vector<16xf32>,
      }
      %scan3A_50 = arith.constant 2048 : i32
      "tpu.region"() ({
        %run_scoped3A = tpu.sem_alloc : memref<!tpu.dma_semaphore, #tpu.memory_space<semaphore_mem>>
        %dma_start3A = arith.constant 0 : i32
        %dma_start3A_51 = tpu.memref_slice %arg4[%add3A_45, %dma_start3A] : memref<512x32768xf32, #tpu.memory_space<hbm>> -> memref<1x32768xf32, #tpu.memory_space<hbm>>
        %dma_start3A_52 = tpu.memref_squeeze %dma_start3A_51 : memref<1x32768xf32, #tpu.memory_space<hbm>> -> memref<32768xf32, #tpu.memory_space<hbm>>
        %dma_start3A_53 = arith.constant 0 : i32
        %dma_start3A_54 = tpu.memref_slice %arg4[%add3A_45, %dma_start3A_53] : memref<512x32768xf32, #tpu.memory_space<hbm>> -> memref<1x32768xf32, #tpu.memory_space<hbm>>
        %dma_start3A_55 = tpu.memref_squeeze %dma_start3A_54 : memref<1x32768xf32, #tpu.memory_space<hbm>> -> memref<32768xf32, #tpu.memory_space<hbm>>
        tpu.enqueue_dma source(%arg7 : memref<32768xf32, #tpu.memory_space<vmem>>) target(%dma_start3A_55 : memref<32768xf32, #tpu.memory_space<hbm>>) target_semaphore(%run_scoped3A : memref<!tpu.dma_semaphore, #tpu.memory_space<semaphore_mem>>)
        %dma_wait3A = arith.constant 0 : i32
        %dma_wait3A_56 = tpu.memref_slice %arg4[%add3A_45, %dma_wait3A] : memref<512x32768xf32, #tpu.memory_space<hbm>> -> memref<1x32768xf32, #tpu.memory_space<hbm>>
        %dma_wait3A_57 = tpu.memref_squeeze %dma_wait3A_56 : memref<1x32768xf32, #tpu.memory_space<hbm>> -> memref<32768xf32, #tpu.memory_space<hbm>>
        %dma_wait3A_58 = arith.constant 0 : i32
        %dma_wait3A_59 = tpu.memref_slice %arg4[%add3A_45, %dma_wait3A_58] : memref<512x32768xf32, #tpu.memory_space<hbm>> -> memref<1x32768xf32, #tpu.memory_space<hbm>>
        %dma_wait3A_60 = tpu.memref_squeeze %dma_wait3A_59 : memref<1x32768xf32, #tpu.memory_space<hbm>> -> memref<32768xf32, #tpu.memory_space<hbm>>
        tpu.wait_dma2 semaphore(%run_scoped3A : memref<!tpu.dma_semaphore, #tpu.memory_space<semaphore_mem>>) src(%arg7 : memref<32768xf32, #tpu.memory_space<vmem>>) dst(%dma_wait3A_60 : memref<32768xf32, #tpu.memory_space<hbm>>)
        tpu.yield
      }) : () -> ()
    }
    %scan3A_34 = arith.constant 16 : i32
    return
  }
}

</mosaic_0001>

<sc_bundles>
// kernel: kernel.3.cloned.1.call-start
scs
__scs_entry_jumppad:
0x0: {  	(pc) =	sbr.rel $0x88, $3  }
0x1: {  	(tag) =	ssettag $0x0;
	lr =	simm.s32 $0x1  }
0x2: {  	[smem:$0x3F9F] =	sst lr;
	_ =	strace $0xD0000000  }
0x3: {  	_ = 	snop  }
0x4: {  	_ = 	snop  }
0x5: {  	_ = 	snop  }
0x6: {  	_ = 	snop  }
0x7: {  	_ = 	snop  }
__scs_overlays_trampoline_lowered:
0x8: {  	[smem:$0x3FAE] =	sst s0  }
0x9: {  	[smem:$0x3FAF] =	sst s1  }
0xa: {  	[smem:$0x3FB0] =	sst s2  }
0xb: {  	[smem:$0x3FB1] =	sst s3  }
0xc: {  	[smem:$0x3FB2] =	sst s4  }
0xd: {  	[smem:$0x3FB3] =	sst s5  }
0xe: {  	[smem:$0x3FB4] =	sst s6  }
0xf: {  	[smem:$0x3FB5] =	sst s7  }
0x10: {  	[smem:$0x3FB6] =	sst s8  }
0x11: {  	[smem:$0x3FB7] =	sst s9;
	s0 =	simm.s32 @!p0 $0x0  }
0x12: {  	s1 =	sld [smem:$0x3F9D];
	s0 =	simm.s32 @p0 $0x1  }
0x13: {  	[smem:$0x3FB8] =	sst s0;
	s0 =	simm.s32 @!p1 $0x0  }
0x14: {  	s2 =	sld [smem:$0x3F9C];
	s0 =	simm.s32 @p1 $0x1  }
0x15: {  	[smem:$0x3FB9] =	sst s0;
	s0 =	simm.s32 @!p2 $0x0  }
0x16: {  	s3 =	sld [smem:$0x3FDB];
	s0 =	simm.s32 @p2 $0x1  }
0x17: {  	s4 =	simm.s32 $0x1BF5;
	[smem:$0x3FBB] =	sst s0  }
0x18: {  	s0 =	sld [smem:$0x3F9E];
	_ =	swait.ge [sflag:s4], $0x0  }
0x19: {  	s7 =	sld [smem:$0x3F9F]  }
0x1a: {  	s8 =	sadd.s32 $0xFFFFE003, lr  }
0x1b: {  	s9 =	sadd.s32 $0xFFFFFEF7, lr;
	s5 =	simm.s32 $0xFFFFFFFF;
	p2 =	slt.u32 s8, $0xFFFFF086  }
0x1c: {  	p1 =	slt.u32 s9, $0xF7A;
	s5 =	simm.s32 @!p2 $0x0  }
0x1d: {  	s5 =	simm.s32 @p1 $0x1;
	p0 =	seq.s32 s7, s2  }
0x1e: {  	s7 =	smul.u32 @!p0 $0xF7A, s2;
	p2 =	seq.s32 @!p0 s5, $0x0  }
0x1f: {  	s9 =	smul.u32 $0xF7A, s1;
	s8 =	simm.s32 @!p0 $0x1BF5;
	p2 =	por !p2, p0  }
0x20: {  	[sflag:s8] =	ssyncset.s32 @!p0 $0xFFFFF086;
	s6 =	sadd.s32 @!p0 s3, s7;
	s7 =	simm.s32 @!p0 $0x108  }
0x21: {  	s3 =	sadd.s32 s3, s9;
	s6 =	sadd.s32 @!p0 $0x88, s6;
	s7 =	simm.s32 @p2 $0x1082  }
0x22: {  	[simem:s7], [sflag:s8] =	dma.local @!p0 [hbm:s6], $0xF7A  }
0x23: {  	s9 =	sor.u32 $0xD0000000, s2;
	s6 =	simm.s32 $0x108;
	_ =	swait.ge @!p0 [sflag:s8], $0x0  }
0x24: {  	s3 =	sadd.s32 $0x88, s3;
	s6 =	simm.s32 @!p1 $0x1082;
	[sflag:s4] =	ssyncset.s32 $0xFFFFF086  }
0x25: {  	[simem:s6], [sflag:s4] =	dma.local [hbm:s3], $0xF7A  }
0x26: {  	[smem:$0x3F9F] =	sst s1;
	(tag) =	ssettag s2;
	_ =	strace s9  }
0x27: {  	s1 =	sld [smem:$0x3FAF]  }
0x28: {  	s2 =	sld [smem:$0x3FB0]  }
0x29: {  	s4 =	sld [smem:$0x3FB2]  }
0x2a: {  	p0 =	seq.s32 s5, $0x0;
	s5 =	sld [smem:$0x3FB3]  }
0x2b: {  	s6 =	sld [smem:$0x3FB4]  }
0x2c: {  	s7 =	sld [smem:$0x3FB5]  }
0x2d: {  	s3 =	simm.s32 $0x108;
	s8 =	sld [smem:$0x3FB6]  }
0x2e: {  	s3 =	simm.s32 @!p0 $0x1082;
	s9 =	sld [smem:$0x3FB7]  }
0x2f: {  	lr =	sadd.s32 s0, s3;
	s0 =	sld [smem:$0x3FAE]  }
0x30: {  	s3 =	sld [smem:$0x3FB1]  }
0x31: {  	[smem:$0x3FBA] =	sst s10  }
0x32: {  	s10 =	sld [smem:$0x3FB8];
	_ =	sdelay $0x3  }
0x33: {  	p0 =	seq.s32 s10, $0x1;
	s10 =	sld [smem:$0x3FBA];
	_ =	sdelay $0x3  }
0x34: {  	[smem:$0x3FBA] =	sst s10  }
0x35: {  	s10 =	sld [smem:$0x3FB9];
	_ =	sdelay $0x3  }
0x36: {  	p1 =	seq.s32 s10, $0x1;
	s10 =	sld [smem:$0x3FBA];
	_ =	sdelay $0x3  }
0x37: {  	[smem:$0x3FBA] =	sst s10  }
0x38: {  	s10 =	sld [smem:$0x3FBB]  }
0x39: {  	_ = 	snop;
	(pc) =	sbr.ind lr, $3  }
0x3a: {  	_ = 	snop  }
0x3b: {  	_ = 	snop  }
0x3c: {  	p2 =	seq.s32 s10, $0x1;
	s10 =	sld [smem:$0x3FBA]  }
0x3d: {  	_ =	shalt  }
0x3e: {  	_ =	shalt  }
0x3f: {  	_ =	shalt  }
0x40: {  	_ =	shalt  }
0x41: {  	_ =	shalt  }
0x42: {  	_ =	shalt  }
0x43: {  	_ =	shalt  }
0x44: {  	_ =	shalt  }
0x45: {  	_ =	shalt  }
0x46: {  	_ =	shalt  }
0x47: {  	_ =	shalt  }
0x48: {  	_ =	shalt  }
0x49: {  	_ =	shalt  }
0x4a: {  	_ =	shalt  }
0x4b: {  	_ =	shalt  }
0x4c: {  	_ =	shalt  }
0x4d: {  	_ =	shalt  }
0x4e: {  	_ =	shalt  }
0x4f: {  	_ =	shalt  }
0x50: {  	_ =	shalt  }
0x51: {  	_ =	shalt  }
0x52: {  	_ =	shalt  }
0x53: {  	_ =	shalt  }
0x54: {  	_ =	shalt  }
0x55: {  	_ =	shalt  }
0x56: {  	_ =	shalt  }
0x57: {  	_ =	shalt  }
0x58: {  	_ =	shalt  }
0x59: {  	_ =	shalt  }
0x5a: {  	_ =	shalt  }
0x5b: {  	_ =	shalt  }
0x5c: {  	_ =	shalt  }
0x5d: {  	_ =	shalt  }
0x5e: {  	_ =	shalt  }
0x5f: {  	_ =	shalt  }
0x60: {  	_ =	shalt  }
0x61: {  	_ =	shalt  }
0x62: {  	_ =	shalt  }
0x63: {  	_ =	shalt  }
0x64: {  	_ =	shalt  }
0x65: {  	_ =	shalt  }
0x66: {  	_ =	shalt  }
0x67: {  	_ =	shalt  }
0x68: {  	_ =	shalt  }
0x69: {  	_ =	shalt  }
0x6a: {  	_ =	shalt  }
0x6b: {  	_ =	shalt  }
0x6c: {  	_ =	shalt  }
0x6d: {  	_ =	shalt  }
0x6e: {  	_ =	shalt  }
0x6f: {  	_ =	shalt  }
0x70: {  	_ =	shalt  }
0x71: {  	_ =	shalt  }
0x72: {  	_ =	shalt  }
0x73: {  	_ =	shalt  }
0x74: {  	_ =	shalt  }
0x75: {  	_ =	shalt  }
0x76: {  	_ =	shalt  }
0x77: {  	_ =	shalt  }
0x78: {  	_ =	shalt  }
0x79: {  	_ =	shalt  }
0x7a: {  	_ =	shalt  }
0x7b: {  	_ =	shalt  }
0x7c: {  	_ =	shalt  }
0x7d: {  	_ =	shalt  }
0x7e: {  	_ =	shalt  }
0x7f: {  	_ =	shalt  }
0x80: {  	_ =	shalt  }
0x81: {  	_ =	shalt  }
0x82: {  	_ =	shalt  }
0x83: {  	_ =	shalt  }
0x84: {  	_ =	shalt  }
0x85: {  	_ =	shalt  }
0x86: {  	_ =	shalt  }
0x87: {  	_ =	shalt  }
.Lfunc_end0:
.L_simem_size_0:
called_computation.1_lowered:
.L_overlay_start_0:
0x88: {  	s2 =	sld [smem:$0x3FD9]  }
0x89: {  	s3 =	sld [smem:$0x3FFE];
	_ =	sdelay $0x1  }
0x8a: {  	s1 =	srdreg.scid  }
0x8b: {  	s0 =	sand.u32 $0x1, s1  }
0x8c: {  	s17 =	sshll.u32 s0, $0xA;
	s2 =	sadd.s32 s3, s2  }
0x8d: {  	s2 =	sadd.s32 s2, s17  }
0x8e: {  	[smem:$0x3FC6] =	sst s2  }
0x8f: {  	_ = 	snop  }
0x90: {  	s2 =	sld [smem:$0x3FC9]  }
0x91: {  	s18 =	sld [smem:$0x3FD0];
	(tm) =	ssettm $0x1  }
0x92: {  	s4 =	sld [smem:$0x3FFB];
	_ =	sdelay $0x3  }
0x93: {  	_ =	strace s4  }
0x94: {  	s4 =	sld [smem:$0x3FFC];
	_ =	sdelay $0x3  }
0x95: {  	_ =	strace s4  }
0x96: {  	s4 =	sld [smem:$0x3FFD];
	_ =	sdelay $0x3  }
0x97: {  	_ =	strace s4  }
0x98: {  	_ =	strace $0x8FFFFFFF  }
0x99: {  	s19 =	sld [smem:$0x3FDB];
	_ =	sdelay $0x1  }
0x9a: {  	s5 =	simm.s32 $_scs_section_size  }
0x9b: {  	s6 =	simm.s32 $_size__tile_overlayer_lowered;
	s7 =	simm.s32 $_tile_overlayer_lowered  }
0x9c: {  	s22 =	simm.s32 $0x1BFF;
	s21 =	sshll.u32 s7, $0x1;
	s4 =	sadd.s32 s5, s19  }
0x9d: {  	s8 =	simm.s32 $0x0;
	s20 =	sshll.u32 s6, $0x1;
	s6 =	sadd.s32 s21, s4  }
0x9e: {  	[timem:s8], [sflag:s22] =	dma.local [hbm:s6], s20  }
0x9f: {  	_ =	swait.ge [sflag:s22], s20  }
0xa0: {  	s5 =	ssub.s32 $0x0, s20;
	[sflag:s22] =	ssyncset.done $0x0  }
0xa1: {  	[sflag:s22] =	ssyncadd.s32 s5;
	_ =	sdelay $0x1  }
0xa2: {  	s23 =	simm.s32 $0x1B8B  }
0xa3: {  	_ =	swait.ge [sflag:s23], $0x1  }
0xa4: {  	[sflag:s23] =	ssyncset.done $0x0  }
0xa5: {  	s25 =	simm.s32 $0x1B8E;
	s24 =	sld [smem:$0x3FFE];
	[sflag:s23] =	ssyncadd.s32 $0xFFFFFFFF  }
0xa6: {  	s26 =	simm.s32 $execute0_lowered;
	[smem:$0x3FD2] =	sst s25  }
0xa7: {  	s6 =	sshll.u32 s26, $0x1;
	_ =	strace $0x80000046;
	[dreg:$0x1] =	wrdreg $0xFFFFFFFF  }
0xa8: {  	s28 =	simm.s32 $_size_execute0_lowered;
	s4 =	sadd.s32 s4, s6;
	[dreg:$0x0] =	wrdreg $0x0  }
0xa9: {  	s6 =	sshll.u32 s28, $0x1;
	[dreg:$0x2] =	wrdreg s4  }
0xaa: {  	[dreg:$0x3] =	wrdreg s6  }
0xab: {  	[dreg:$0x4] =	wrdreg $0xC0  }
0xac: {  	_ =	task [dreg:s8], $0x5FFFF  }
0xad: {  	[dreg:$0x1] =	wrdreg $0xFFFFFFFF  }
0xae: {  	[dreg:$0x0] =	wrdreg $0x60  }
0xaf: {  	[dreg:$0x2] =	wrdreg s2  }
0xb0: {  	[dreg:$0x3] =	wrdreg s18  }
0xb1: {  	[dreg:$0x4] =	wrdreg s24  }
0xb2: {  	[dreg:$0x5] =	wrdreg $0x9  }
0xb3: {  	_ =	task.clear_ibuf [dreg:s8], $0x6FFFF;
	_ =	strace $0x90000046  }
0xb4: {  	s29 =	simm.s32 $0x9;
	_ =	strace $0x80000048  }
0xb5: {  	_ =	swait.ge [sflag:s29], $0x1  }
0xb6: {  	[sflag:s29] =	ssyncadd.s32 $0xFFFFFFFF  }
0xb7: {  	_ =	strace $0x90000048  }
0xb8: {  	_ =	sfence  }
0xb9: {  	s30 =	sld [smem:$0x0];
	_ =	sdelay $0x2  }
0xba: {  	s31 =	sshll.u32 s1, $0xD;
	s1 =	sshrl.u32 s1, $0x2  }
0xbb: {  	s3 =	sand.u32 $0x4000, s31;
	s1 =	sadd.s32 s1, s30  }
0xbc: {  	s0 =	sor.u32 s3, s0;
	s1 =	sshll.u32 s1, $0x11  }
0xbd: {  	s0 =	sor.u32 s1, s0  }
0xbe: {  	s0 =	sadd.s32 $0x8F2B, s0  }
0xbf: {  	[sflag:s0] =	ssyncadd.remote.s32 $0x1  }
0xc0: {  	_ =	sfence.sel $0xFFFF  }
0xc1: {  	[dreg:$0x0] =	wrdreg $0xFFFFFFFF;
	(pc) =	sbr.abs _section_cstart, $3  }
0xc2: {  	[dreg:$0x1] =	wrdreg $0xFFFFFFFF  }
0xc3: {  	_ =	task.clear_ibuf [dreg:s8], $0x2FFFF;
	_ =	strace $0x9FFFFFFF  }
0xc4: {  	(tm) =	ssettm $0x7FFFFFFF  }
0xc5: {  	_ =	shalt  }
tec
execute0_lowered:
.L_overlay_start_1:
0x0: {  	(tag) =	ssettag $0x1  }
0x1: {  	s1 =	rddreg [dreg:$0x0]  }
0x2: {  	s5 =	rddreg [dreg:$0x1]  }
0x3: {  	s4 =	rddreg [dreg:$0x2]  }
0x4: {  	s3 =	srdreg.scid;
	s0 =	rddreg [dreg:$0x3];
	s2 =	simm.s32 $0x0  }
0x5: {  	s11 =	simm.s32 $0x8000;
	s12 =	simm.s32 $0xC000;
	s13 =	simm.s32 $0x0  }
0x6: {  	s6 =	sand.u32 $0x1, s3;
	[smem:$0x7FF] =	sst s2;
	s3 =	stileid.u32  }
0x7: {  	s4 =	sadd.s32 $0x800, s4;
	s7 =	ssub.s32 $0x2, s6;
	_ =	strace $0x80000047  }
0x8: {  	s31 =	sshll.u32 s3, $0x5;
	s9 =	sshrl.u32 s3, $0x1;
	s6 =	sshll.u32 s6, $0x4  }
0x9: {  	s8 =	sshrl.u32 s7, $0x1;
	s10 =	sshll.u32 s9, $0x4;
	s9 =	sshll.u32 s9, $0x6  }
0xa: {  	s7 =	ssub.s32 s7, s8;
	s8 =	sand.u32 $0x20, s31;
	s5 =	sadd.s32 s5, s10  }
0xb: {  	s10 =	simm.s32 $0x1;
	s6 =	sor.u32 s6, s8;
	s7 =	smax.u32 s7, $0x1  }
0xc: {  	s8 =	simm.s32 $0x80;
	s6 =	sor.u32 s9, s6;
	s9 =	simm.s32 $0x400  }
.LBB2_1:
0xd: {  	[tilespmem:s2], [sflag:$0x1] =	stream.strided.gather [hbm4b:s5+s8], $0x8000, s9, s8, $0x38;
	[tilespmem:$0x14000] =	vst v63  }
0xe: {  	_ =	swait.ge [sflag:s10], $0x8000  }
0xf: {  	[sflag:s10] =	ssyncset.done $0x0  }
0x10: {  	s14 =	simm.s32 $0x0;
	[sflag:s10] =	ssyncadd.s32 $0xFFFF8000  }
.LBB2_2:
0x11: {  	s15 =	sadd.s32 s6, s14  }
0x12: {  	s16 =	sshll.u32 s14, $0x7;
	s15 =	sshrl.u32 s15, $0x3  }
0x13: {  	s16 =	sand.u32 $0x380, s16;
	s17 =	sshll.u32 s15, $0x11  }
0x14: {  	s17 =	sor.u32 s16, s17  }
0x15: {  	s17 =	sshrl.u32 s17, $0x3  }
0x16: {  	s17 =	sadd.s32 s1, s17  }
0x17: {  	[tilespmem:s11], [sflag:$0x1] =	stream.strided.gather [hbm4b:s17+s8], $0x4000, s9, s8, $0x38;
	[tilespmem:$0x14000] =	vst v63  }
0x18: {  	_ =	swait.ge [sflag:s10], $0x4000  }
0x19: {  	s18 =	simm.s32 $0x40;
	[sflag:s10] =	ssyncset.done $0x0  }
0x1a: {  	s19 =	simm.s32 $0xC040;
	s17 =	simm.s32 $0xFFFFFFF8;
	[sflag:s10] =	ssyncadd.s32 $0xFFFFC000  }
.LBB2_3:
0x1b: {  	v0 =	vld [tilespmem:s18+$0xFFFFFFC0];
	_ =	sdelay $0x7  }
0x1c: {  	v0 =	vld.idx.msk [tilespmem:v0+s11+$0x0], $0xffff;
	_ =	sdelay $0x4  }
0x1d: {  	[tilespmem:s19+$0xFFFFFFC0] =	vst v0  }
0x1e: {  	v0 =	vld [tilespmem:s18+$0xFFFFFFD0];
	_ =	sdelay $0x7  }
0x1f: {  	v0 =	vld.idx.msk [tilespmem:v0+s11+$0x0], $0xffff;
	_ =	sdelay $0x4  }
0x20: {  	[tilespmem:s19+$0xFFFFFFD0] =	vst v0  }
0x21: {  	v0 =	vld [tilespmem:s18+$0xFFFFFFE0];
	_ =	sdelay $0x7  }
0x22: {  	v0 =	vld.idx.msk [tilespmem:v0+s11+$0x0], $0xffff;
	_ =	sdelay $0x4  }
0x23: {  	[tilespmem:s19+$0xFFFFFFE0] =	vst v0  }
0x24: {  	v0 =	vld [tilespmem:s18+$0xFFFFFFF0];
	_ =	sdelay $0x7  }
0x25: {  	v0 =	vld.idx.msk [tilespmem:v0+s11+$0x0], $0xffff;
	_ =	sdelay $0x4  }
0x26: {  	[tilespmem:s19+$0xFFFFFFF0] =	vst v0  }
0x27: {  	v0 =	vld [tilespmem:s18+$0x0];
	_ =	sdelay $0x7  }
0x28: {  	v0 =	vld.idx.msk [tilespmem:v0+s11+$0x0], $0xffff;
	_ =	sdelay $0x4  }
0x29: {  	[tilespmem:s19+$0x0] =	vst v0  }
0x2a: {  	v0 =	vld [tilespmem:s18+$0x10];
	_ =	sdelay $0x7  }
0x2b: {  	v0 =	vld.idx.msk [tilespmem:v0+s11+$0x0], $0xffff;
	_ =	sdelay $0x4  }
0x2c: {  	[tilespmem:s19+$0x10] =	vst v0  }
0x2d: {  	v0 =	vld [tilespmem:s18+$0x20];
	_ =	sdelay $0x7  }
0x2e: {  	v0 =	vld.idx.msk [tilespmem:v0+s11+$0x0], $0xffff;
	_ =	sdelay $0x4  }
0x2f: {  	[tilespmem:s19+$0x20] =	vst v0  }
0x30: {  	v0 =	vld [tilespmem:s18+$0x30];
	_ =	sdelay $0x6  }
0x31: {  	s17 =	sadd.s32 $0x8, s17  }
0x32: {  	p0 =	slt.u32 s17, $0x7F8;
	v0 =	vld.idx.msk [tilespmem:v0+s11+$0x0], $0xffff  }
.Ltmp0:
0x33: {  	_ = 	snop;
	(pc) =	sbr.rel @p0 .LBB2_3-.Ltmp0, $2  }
0x34: {  	_ =	sdelay $0x2  }
0x35: {  	s18 =	sadd.s32 $0x80, s18;
	[tilespmem:s19+$0x30] =	vst v0;
	s19 =	sadd.s32 $0x80, s19  }
0x36: {  	s15 =	sshll.u32 s15, $0x12  }
0x37: {  	s14 =	sadd.s32 $0x1, s14;
	s15 =	sor.u32 s16, s15  }
0x38: {  	p0 =	sne.s32 s14, $0x10;
	s15 =	sshrl.u32 s15, $0x3  }
.Ltmp1:
0x39: {  	s15 =	sadd.s32 s4, s15;
	(pc) =	sbr.rel @p0 .LBB2_2-.Ltmp1, $4  }
0x3a: {  	[hbm4b:s15+s8] =	stream.strided.scatter [tilespmem:s12], [sflag:$0x1], $0x8000, s9, s8, $0x38;
	[tilespmem:$0x14000] =	vst v63  }
0x3b: {  	_ =	swait.ge [sflag:s10], $0x8000  }
0x3c: {  	[sflag:s10] =	ssyncset.done $0x0  }
0x3d: {  	[sflag:s10] =	ssyncadd.s32 $0xFFFF8000  }
0x3e: {  	s13 =	sadd.s32 $0x1, s13  }
0x3f: {  	p0 =	sne.s32 s13, s7  }
.Ltmp2:
0x40: {  	_ = 	snop;
	(pc) =	sbr.rel @p0 .LBB2_1-.Ltmp2, $1  }
0x41: {  	_ =	sdelay $0x3  }
0x42: {  	_ =	sfence.sel $0x180000  }
0x43: {  	[bflag:$0x0] =	sbarrier.arrive $0xFFFF  }
0x44: {  	p0 =	sne.s32 s3, $0x0;
	_ =	strace $0x90000047  }
0x45: {  	s0 =	sadd.s32 @!p0 $0x100000, s0;
	[bflag:$0x2] =	sbarrier.arrive $0xFFFF  }
0x46: {  	[sflag:s0] =	ssyncadd.tile.s32 @!p0 $0x1;
	_ =	shalt  }
.Lfunc_end2:
_tile_overlayer_lowered:
.L_overlay_start_2:
0x47: {  	(tag) =	ssettag $0x2  }
0x48: {  	s0 =	rddreg [dreg:$0x0];
	s2 =	stileid.u32  }
0x49: {  	s1 =	rddreg [dreg:$0x1];
	p0 =	sne.s32 s2, $0x0  }
0x4a: {  	s3 =	rddreg [dreg:$0x2];
	[bflag:$0x3] =	sbarrier.arrive $0xFFFF;
	s2 =	simm.s32 @!p0 $0x1C01  }
0x4b: {  	[timem:s3], [sflag:s2] =	dma.local @!p0 [hbm:s0], s1  }
0x4c: {  	s0 =	simm.s32 @!p0 $0x1  }
0x4d: {  	_ =	swait.ge @!p0 [sflag:s0], s1  }
0x4e: {  	s1 =	ssub.s32 @!p0 $0x0, s1;
	[sflag:s0] =	ssyncset.done @!p0 $0x0  }
0x4f: {  	[sflag:s0] =	ssyncadd.s32 @!p0 s1  }
0x50: {  	[bflag:$0x3] =	sbarrier.arrive $0xFFFF  }
0x51: {  	_ =	shalt  }

// kernel: sparse-core-data-format-call.cloned.1.call-start
scs
called_computation_lowered:
.L_overlay_start_0:
0x0: {  	s2 =	sld [smem:$0x3FD9]  }
0x1: {  	s3 =	sld [smem:$0x3FFE];
	_ =	sdelay $0x1  }
0x2: {  	s1 =	srdreg.scid  }
0x3: {  	s0 =	sand.u32 $0x1, s1  }
0x4: {  	s18 =	sshll.u32 s0, $0xA;
	s2 =	sadd.s32 s3, s2  }
0x5: {  	s2 =	sadd.s32 s2, s18  }
0x6: {  	[smem:$0x3FC6] =	sst s2  }
0x7: {  	_ = 	snop  }
0x8: {  	s2 =	sld [smem:$0x3FD0];
	(tm) =	ssettm $0x1  }
0x9: {  	s19 =	sld [smem:$0x3FFB];
	_ =	sdelay $0x3  }
0xa: {  	_ =	strace s19  }
0xb: {  	s3 =	sld [smem:$0x3FFC];
	_ =	sdelay $0x3  }
0xc: {  	_ =	strace s3  }
0xd: {  	s3 =	sld [smem:$0x3FFD];
	_ =	sdelay $0x3  }
0xe: {  	_ =	strace s3  }
0xf: {  	_ =	strace $0x8FFFFFFF  }
0x10: {  	s20 =	sld [smem:$0x3FDB];
	_ =	sdelay $0x1  }
0x11: {  	s4 =	simm.s32 $_scs_section_size  }
0x12: {  	s5 =	simm.s32 $_size__tile_overlayer_lowered;
	s6 =	simm.s32 $_tile_overlayer_lowered  }
0x13: {  	s23 =	simm.s32 $0x1BFF;
	s22 =	sshll.u32 s6, $0x1;
	s3 =	sadd.s32 s4, s20  }
0x14: {  	s7 =	simm.s32 $0x0;
	s21 =	sshll.u32 s5, $0x1;
	s5 =	sadd.s32 s22, s3  }
0x15: {  	[timem:s7], [sflag:s23] =	dma.local [hbm:s5], s21  }
0x16: {  	_ =	swait.ge [sflag:s23], s21  }
0x17: {  	s4 =	ssub.s32 $0x0, s21;
	[sflag:s23] =	ssyncset.done $0x0  }
0x18: {  	[sflag:s23] =	ssyncadd.s32 s4;
	_ =	sdelay $0x1  }
0x19: {  	s24 =	simm.s32 $0x1B8B  }
0x1a: {  	_ =	swait.ge [sflag:s24], $0x1  }
0x1b: {  	[sflag:s24] =	ssyncset.done $0x0  }
0x1c: {  	s26 =	simm.s32 $0x1B8E;
	s25 =	sld [smem:$0x3FFE];
	[sflag:s24] =	ssyncadd.s32 $0xFFFFFFFF  }
0x1d: {  	s27 =	simm.s32 $execute0_lowered;
	[smem:$0x3FD2] =	sst s26  }
0x1e: {  	s5 =	sshll.u32 s27, $0x1;
	_ =	strace $0x80000049;
	[dreg:$0x1] =	wrdreg $0xFFFFFFFF  }
0x1f: {  	s28 =	simm.s32 $_size_execute0_lowered;
	s3 =	sadd.s32 s3, s5;
	[dreg:$0x0] =	wrdreg $0x0  }
0x20: {  	s5 =	sshll.u32 s28, $0x1;
	[dreg:$0x2] =	wrdreg s3  }
0x21: {  	[dreg:$0x3] =	wrdreg s5  }
0x22: {  	[dreg:$0x4] =	wrdreg $0xC0  }
0x23: {  	_ =	task [dreg:s7], $0x5FFFF  }
0x24: {  	[dreg:$0x1] =	wrdreg $0xFFFFFFFF  }
0x25: {  	[dreg:$0x0] =	wrdreg $0x60  }
0x26: {  	[dreg:$0x2] =	wrdreg s25  }
0x27: {  	[dreg:$0x3] =	wrdreg s2  }
0x28: {  	[dreg:$0x4] =	wrdreg $0x9  }
0x29: {  	_ =	task.clear_ibuf [dreg:s7], $0x5FFFF;
	_ =	strace $0x90000049  }
0x2a: {  	s29 =	simm.s32 $0x9;
	_ =	strace $0x8000004B  }
0x2b: {  	_ =	swait.ge [sflag:s29], $0x1  }
0x2c: {  	[sflag:s29] =	ssyncadd.s32 $0xFFFFFFFF  }
0x2d: {  	_ =	strace $0x9000004B  }
0x2e: {  	_ =	sfence  }
0x2f: {  	s30 =	sld [smem:$0x0];
	_ =	sdelay $0x2  }
0x30: {  	s31 =	sshll.u32 s1, $0xD;
	s1 =	sshrl.u32 s1, $0x2  }
0x31: {  	s3 =	sand.u32 $0x4000, s31;
	s1 =	sadd.s32 s1, s30  }
0x32: {  	s0 =	sor.u32 s3, s0;
	s1 =	sshll.u32 s1, $0x11  }
0x33: {  	s0 =	sor.u32 s1, s0  }
0x34: {  	s0 =	sadd.s32 $0x8F2B, s0  }
0x35: {  	[sflag:s0] =	ssyncadd.remote.s32 $0x1  }
0x36: {  	_ =	sfence.sel $0xFFFF  }
0x37: {  	[dreg:$0x0] =	wrdreg $0xFFFFFFFF;
	(pc) =	sbr.abs _section_cstart, $3  }
0x38: {  	[dreg:$0x1] =	wrdreg $0xFFFFFFFF  }
0x39: {  	_ =	task.clear_ibuf [dreg:s7], $0x2FFFF;
	_ =	strace $0x9FFFFFFF  }
0x3a: {  	(tm) =	ssettm $0x7FFFFFFF  }
0x3b: {  	_ =	shalt  }
tec
execute0_lowered:
.L_overlay_start_1:
0x0: {  	(tag) =	ssettag $0x1  }
0x1: {  	s4 =	rddreg [dreg:$0x0]  }
0x2: {  	s0 =	stileid.u32;
	s2 =	rddreg [dreg:$0x1]  }
0x3: {  	s1 =	rddreg [dreg:$0x2];
	_ =	strace $0x8000004A;
	s5 =	srdreg.scid  }
0x4: {  	s31 =	simm.s32 $0x2;
	s14 =	simm.s32 $0x0;
	s9 =	simm.s32 $0x8000  }
0x5: {  	s16 =	simm.s32 $0x0;
	s15 =	simm.s32 $0x0;
	s3 =	sshll.u32 s0, $0x7  }
0x6: {  	s10 =	simm.s32 $0x0;
	s5 =	sshll.u32 s5, $0x4;
	s3 =	sand.u32 $0x380, s3  }
0x7: {  	s13 =	simm.s32 $0x0;
	s5 =	sand.u32 $0x10, s5;
	s6 =	ssub.s32 $0x400, s3  }
0x8: {  	s4 =	sadd.s32 $0x800, s4;
	s5 =	sor.u32 s0, s5;
	s7 =	sand.u32 $0x380, s6  }
.Ltmp0:
0x9: {  	p0 =	sne.s32 s7, $0x0;
	s7 =	simm.s32 $0x1;
	(pc) =	sbr.rel .LBB1_1-.Ltmp0, $4  }
0xa: {  	s12 =	smov.u32 s3;
	s8 =	sshrl.u32 s6, $0xA;
	s7 =	simm.s32 @!p0 $0x0  }
0xb: {  	s5 =	sshrl.u32 s5, $0x3;
	s6 =	simm.s32 $0x1;
	s7 =	sadd.s32 s7, s8  }
0xc: {  	[sflag:s6] =	ssyncpa.u1 $0x0;
	s11 =	smov.u32 s5;
	s7 =	sshll.u32 s7, $0x6  }
0xd: {  	[sflag:s31] =	ssyncpa.u1 $0x0;
	p0 =	por $0x0, $0x0;
	s8 =	sor.u32 $0x1, s7  }
.LBB1_4:
0xe: {  	s19 =	sshll.u32 s16, $0xA;
	s20 =	sshll.u32 s15, $0x3  }
0xf: {  	s29 =	sshll.u32 s16, $0x7;
	s30 =	sand.u32 $0x78, s15;
	s14 =	sshll.u32 s14, $0x12  }
0x10: {  	s19 =	sand.u32 $0x6000, s19;
	s20 =	sand.u32 $0x7C00, s20;
	s16 =	sand.u32 $0x380, s29  }
0x11: {  	s31 =	sand.u32 $0x7, s15;
	s19 =	sadd.s32 s20, s19;
	s16 =	sor.u32 s30, s16  }
0x12: {  	[tilespmem:s18+$0x810 ss:$0x81] =	vst.msk $0xffff, v2;
	s14 =	sadd.s32 s2, s14;
	s19 =	sshrl.u32 s19, $0x3;
	s16 =	sshrl.u32 s16, $0x3  }
0x13: {  	[tilespmem:s18+$0x1020 ss:$0x81] =	vst.msk $0xffff, v0;
	s15 =	sshll.u32 s31, $0x12;
	s19 =	sand.u32 $0xF80, s19;
	s14 =	sadd.s32 s16, s14  }
0x14: {  	[tilespmem:s18+$0x0 ss:$0x81] =	vst.msk $0xffff, v1;
	s15 =	sor.u32 $0x80, s15;
	s14 =	sadd.s32 s19, s14  }
0x15: {  	[hbm4b:s14+s15] =	stream.strided.scatter [tilespmem:s17], [sflag:$0x2], $0x2000, s9, s15, $0x20;
	[tilespmem:$0x8080] =	vst v63  }
.LBB1_5:
0x16: {  	s17 =	sadd.s32 $0x1, s10  }
0x17: {  	s14 =	sadd.s32 $0x4, s11;
	s18 =	smov.u32 s11;
	p2 =	sgt.s32 s17, $0x7  }
0x18: {  	s18 =	smov.u32 @p2 s14  }
0x19: {  	s20 =	smov.u32 s12;
	s14 =	sadd.s32 $0x400, s12;
	p3 =	sgt.s32 s18, $0x1F  }
0x1a: {  	s20 =	smov.u32 @p3 s14  }
0x1b: {  	s17 =	simm.s32 @p2 $0x0;
	p2 =	sgt.s32 s20, $0x3FF  }
0x1c: {  	p1 =	slt.u32 s13, $0x2;
	s20 =	smov.u32 @p2 s3;
	p2 =	sne.s32 s13, s8  }
.Ltmp1:
0x1d: {  	s19 =	simm.s32 @!p1 $0x2;
	(pc) =	sbr.rel @!p2 .LBB1_6-.Ltmp1, $4  }
0x1e: {  	s16 =	smov.u32 s11;
	s15 =	smov.u32 s12;
	_ =	swait.ge @!p1 [sflag:s19], $0x2000  }
0x1f: {  	p0 =	por !p0, !p0;
	[sflag:s19] =	ssyncset.done @!p1 $0x0;
	s18 =	smov.u32 @p3 s5  }
0x20: {  	s14 =	smov.u32 s10;
	[sflag:s19] =	ssyncadd.s32 @!p1 $0xFFFFE000;
	s10 =	smov.u32 s17  }
0x21: {  	s11 =	smov.u32 s18;
	s13 =	sadd.s32 $0x1, s13;
	s12 =	smov.u32 s20  }
.LBB1_1:
0x22: {  	p1 =	sge.u32 s13, s7;
	s31 =	sadd.s32 $0xFFFFFFFF, s13  }
0x23: {  	s17 =	sxor.u32 @!p1 $0xFFFFFFFF, s13;
	s18 =	sshll.u32 @!p1 s12, $0xC;
	s19 =	sshll.u32 @!p1 s11, $0x7  }
0x24: {  	s20 =	sshll.u32 @!p1 s10, $0x4;
	s17 =	sshll.u32 @!p1 s17, $0xD;
	s18 =	sadd.s32 @!p1 s4, s18  }
0x25: {  	s20 =	sand.u32 @!p1 $0x70, s20;
	s17 =	sand.u32 @!p1 $0x2000, s17;
	s18 =	sadd.s32 @!p1 s19, s18  }
0x26: {  	s19 =	simm.s32 @!p1 $0x40;
	s18 =	sadd.s32 @!p1 s20, s18;
	s20 =	simm.s32 @!p1 $0x8000  }
0x27: {  	[tilespmem:s17], [sflag:$0x1] =	stream.strided.gather @!p1 [hbm4b:s18+s19], $0x2000, s20, s19, $0x38;
	[tilespmem:$0x8080] =	vst v63  }
0x28: {  	p1 =	sge.u32 s31, s7  }
.Ltmp2:
0x29: {  	_ = 	snop;
	(pc) =	sbr.rel @p1 .LBB1_5-.Ltmp2, $1  }
0x2a: {  	_ =	sdelay $0x3  }
0x2b: {  	s17 =	simm.s32 $0x1  }
0x2c: {  	_ =	swait.ge [sflag:s6], $0x2000;
	s17 =	simm.s32 @!p0 $0x0  }
0x2d: {  	[sflag:s6] =	ssyncset.done $0x0;
	s18 =	sshll.u32 s17, $0xD  }
0x2e: {  	[sflag:s6] =	ssyncadd.s32 $0xFFFFE000;
	s21 =	sor.u32 $0x20, s18  }
0x2f: {  	s17 =	smul.u32 $0x8100, s17;
	v3 =	vld [tilespmem:s21+$0x10]  }
0x30: {  	s30 =	sand.u32 $0x1, s13;
	v2 =	vld [tilespmem:s21+$0xFFFFFFF0]  }
0x31: {  	s18 =	smul.u32 $0x8100, s30;
	s17 =	sshrl.u32 s17, $0x2;
	v0 =	vld [tilespmem:s21+$0x0]  }
0x32: {  	v1 =	vld [tilespmem:s21+$0xFFFFFFE0];
	s19 =	sor.u32 $0x4000, s17  }
0x33: {  	s31 =	sshrl.u32 s18, $0x2;
	s18 =	sadd.s32 $0x0, s19  }
0x34: {  	s20 =	simm.s32 $0x4;
	s21 =	sadd.s32 $0x40, s21;
	s17 =	sor.u32 $0x4000, s31;
	[tilespmem:s18+$0x1830 ss:$0x81] =	vst.msk $0xffff, v3  }
.LBB1_3:
0x35: {  	v3 =	vld [tilespmem:s21+$0x10];
	p1 =	sne.s32 s20, $0x1FC;
	[tilespmem:s18+$0x810 ss:$0x81] =	vst.msk $0xffff, v2;
	s22 =	smov.u32 s20;
	s20 =	sadd.s32 $0x4, s20  }
.Ltmp3:
0x36: {  	v2 =	vld [tilespmem:s21+$0xFFFFFFF0];
	[tilespmem:s18+$0x1020 ss:$0x81] =	vst.msk $0xffff, v0;
	(pc) =	sbr.rel @p1 .LBB1_3-.Ltmp3, $4  }
0x37: {  	v0 =	vld [tilespmem:s21+$0x0];
	[tilespmem:s18+$0x0 ss:$0x81] =	vst.msk $0xffff, v1  }
0x38: {  	s18 =	sshra.s32 s22, $0x2;
	v1 =	vld [tilespmem:s21+$0xFFFFFFE0]  }
0x39: {  	s18 =	sadd.s32 s18, s19  }
0x3a: {  	s21 =	sadd.s32 $0x40, s21;
	[tilespmem:s18+$0x1830 ss:$0x81] =	vst.msk $0xffff, v3  }
.Ltmp4:
0x3b: {  	_ = 	snop;
	(pc) =	sbr.rel .LBB1_4-.Ltmp4, $1  }
0x3c: {  	_ =	sdelay $0x3  }
.LBB1_6:
0x3d: {  	_ =	sfence.sel $0x180000  }
0x3e: {  	s2 =	simm.s32 $0x1;
	[bflag:$0x0] =	sbarrier.arrive $0xFFFF  }
0x3f: {  	s31 =	simm.s32 $0x2;
	[sflag:s2] =	ssyncpa.u1 $0x1  }
0x40: {  	[sflag:s31] =	ssyncpa.u1 $0x1  }
0x41: {  	p0 =	sne.s32 s0, $0x0;
	_ =	strace $0x9000004A  }
0x42: {  	s0 =	sadd.s32 @!p0 $0x100000, s1;
	[bflag:$0x2] =	sbarrier.arrive $0xFFFF  }
0x43: {  	[sflag:s0] =	ssyncadd.tile.s32 @!p0 $0x1;
	_ =	shalt  }
.Lfunc_end1:
_tile_overlayer_lowered:
.L_overlay_start_2:
0x44: {  	(tag) =	ssettag $0x2  }
0x45: {  	s0 =	rddreg [dreg:$0x0];
	s2 =	stileid.u32  }
0x46: {  	s1 =	rddreg [dreg:$0x1];
	p0 =	sne.s32 s2, $0x0  }
0x47: {  	s3 =	rddreg [dreg:$0x2];
	[bflag:$0x3] =	sbarrier.arrive $0xFFFF;
	s2 =	simm.s32 @!p0 $0x1C01  }
0x48: {  	[timem:s3], [sflag:s2] =	dma.local @!p0 [hbm:s0], s1  }
0x49: {  	s0 =	simm.s32 @!p0 $0x1  }
0x4a: {  	_ =	swait.ge @!p0 [sflag:s0], s1  }
0x4b: {  	s1 =	ssub.s32 @!p0 $0x0, s1;
	[sflag:s0] =	ssyncset.done @!p0 $0x0  }
0x4c: {  	[sflag:s0] =	ssyncadd.s32 @!p0 s1  }
0x4d: {  	[bflag:$0x3] =	sbarrier.arrive $0xFFFF  }
0x4e: {  	_ =	shalt  }

</sc_bundles>
